<compile_context>
chip_gen: v7x
topology: tpu7x:2x2x1
jax: 0.10.2.dev20260603
libtpu: 0.0.44.dev20260713+nightly
codegen_flags: <defaults>
</compile_context>

<pallas_src>
import functools
import math

import jax
import jax.numpy as jnp
from jax import lax
from jax.experimental import pallas as pl
from jax.experimental.pallas import tpu as pltpu

_B = 1024
_D = 64
_M = 100000
_TEMP = 0.05
_TILE_M = 4000
_HALF = _TILE_M // 2
_STEPS = _M // _TILE_M
_B2 = 2 * _B
_SCALE = math.log2(math.e) / _TEMP
_LN2 = math.log(2.0)


def _main_body(x_ref, f_ref, mz_rgb_ref, mz_ir_ref, xn_ref, acc_ref):
    i = pl.program_id(0)

    @pl.when(i == 0)
    def _init():
        x = x_ref[...]
        n = jnp.sqrt(jnp.sum(x * x, axis=1, keepdims=True))
        xn_ref[...] = x * (_SCALE / jnp.maximum(n, 1e-12))
        acc_ref[...] = jnp.zeros_like(acc_ref)

    xn = xn_ref[...]
    la = jax.lax.dot_general(
        f_ref[:_HALF, :], xn, (((1,), (1,)), ((), ())),
        preferred_element_type=jnp.float32)
    lb = jax.lax.dot_general(
        f_ref[_HALF:, :], xn, (((1,), (1,)), ((), ())),
        preferred_element_type=jnp.float32)
    s = (jnp.sum(jnp.exp2(la), axis=0, keepdims=True)
         + jnp.sum(jnp.exp2(lb), axis=0, keepdims=True))
    acc_ref[...] += s

    @pl.when(i == _STEPS - 1)
    def _fini():
        logz = jnp.log(acc_ref[...])
        mz_rgb_ref[...] = jnp.mean(logz[:, :_B], axis=1, keepdims=True)
        mz_ir_ref[...] = jnp.mean(logz[:, _B:], axis=1, keepdims=True)


def _join_body(x_ref, g_ref, mz_rgb_ref, mz_ir_ref, out_rgb_ref, out_ir_ref):
    x = x_ref[...]
    n = jnp.sqrt(jnp.sum(x * x, axis=1, keepdims=True))
    xn = x / jnp.maximum(n, 1e-12)
    ll = jnp.sum(xn * g_ref[...], axis=1, keepdims=True) * (1.0 / _TEMP)
    out_rgb_ref[...] = mz_rgb_ref[...] - jnp.mean(ll[:_B, :], axis=0,
                                                  keepdims=True)
    out_ir_ref[...] = mz_ir_ref[...] - jnp.mean(ll[_B:, :], axis=0,
                                                keepdims=True)


def kernel(inputs_rgb, inputs_ir, targets_rgb, targets_ir, features):
    x = jnp.concatenate([inputs_rgb, inputs_ir], axis=0)
    t = jnp.concatenate([targets_rgb, targets_ir], axis=0).astype(jnp.int32)
    g = jnp.take(features, t, axis=0)
    mz_rgb, mz_ir = pl.pallas_call(
        _main_body,
        grid=(_STEPS,),
        in_specs=[
            pl.BlockSpec((_B2, _D), lambda i: (0, 0)),
            pl.BlockSpec((_TILE_M, _D), lambda i: (i, 0)),
        ],
        out_specs=[
            pl.BlockSpec((1, 1), lambda i: (0, 0)),
            pl.BlockSpec((1, 1), lambda i: (0, 0)),
        ],
        out_shape=[
            jax.ShapeDtypeStruct((1, 1), jnp.float32),
            jax.ShapeDtypeStruct((1, 1), jnp.float32),
        ],
        scratch_shapes=[
            pltpu.VMEM((_B2, _D), jnp.float32),
            pltpu.VMEM((1, _B2), jnp.float32),
        ],
        compiler_params=pltpu.CompilerParams(
            dimension_semantics=("arbitrary",)),
    )(x, features)
    out_rgb, out_ir = pl.pallas_call(
        _join_body,
        out_shape=[
            jax.ShapeDtypeStruct((1, 1), jnp.float32),
            jax.ShapeDtypeStruct((1, 1), jnp.float32),
        ],
    )(x, g, mz_rgb, mz_ir)
    return (out_rgb[0, 0], out_ir[0, 0])

# --- scband reference (transcript-rebuilt; emitter-appended) ---
"""Pipeline reference for scband-cluster-memory-27814208209141 (READ-ONLY COPY).

The authoritative reference and input builder live on the scoring server;
editing this copy changes nothing except your own understanding.
"""

import jax, jax.numpy as jnp
import numpy as np

B = 1024
D = 64
M = 100000
TEMP = 0.05


def _normalize(x):
    n = jnp.linalg.norm(x, axis=1, keepdims=True)
    return x / jnp.clip(n, 1e-12)


def _cross_entropy(logits, targets):
    logz = jax.scipy.special.logsumexp(logits, axis=1)
    ll = jnp.take_along_axis(logits, targets[:, None], axis=1)[:, 0]
    return jnp.mean(logz - ll)


def setup_inputs(seed: int = 0) -> dict:
    key = jax.random.key(seed)
    k1, k2, k3, k4, k5 = jax.random.split(key, 5)
    inputs_rgb = jax.random.normal(k1, (B, D), dtype=jnp.float32)
    inputs_ir = jax.random.normal(k2, (B, D), dtype=jnp.float32)
    targets_rgb = jax.random.randint(k3, (B,), 0, M, dtype=jnp.int64) if jax.config.jax_enable_x64 else jax.random.randint(k3, (B,), 0, M, dtype=jnp.int32)
    targets_ir = jax.random.randint(k4, (B,), 0, M, dtype=jnp.int64) if jax.config.jax_enable_x64 else jax.random.randint(k4, (B,), 0, M, dtype=jnp.int32)
    feats = jax.random.normal(k5, (M, D), dtype=jnp.float32)
    features = feats / jnp.clip(jnp.linalg.norm(feats, axis=1, keepdims=True), 1e-12)
    return {
        "inputs_rgb": inputs_rgb,
        "inputs_ir": inputs_ir,
        "targets_rgb": targets_rgb,
        "targets_ir": targets_ir,
        "features": features,
    }


def reference(inputs_rgb, inputs_ir, targets_rgb, targets_ir, features):
    # F.normalize(dim=1)
    rgb = _normalize(inputs_rgb)
    ir = _normalize(inputs_ir)
    # CM.forward: inputs @ features.T  (features is a non-learned memory bank)
    outputs_rgb = rgb @ features.T
    outputs_ir = ir @ features.T
    outputs_rgb = outputs_rgb / TEMP
    outputs_ir = outputs_ir / TEMP
    loss_rgb = _cross_entropy(outputs_rgb, targets_rgb)
    loss_ir = _cross_entropy(outputs_ir, targets_ir)
    return (loss_rgb, loss_ir)

if __name__ == "__main__":
    import jax
    _d = setup_inputs()
    print(jax.jit(kernel)(*tuple(_d.values())))

</pallas_src>

<mosaic_0001>
module attributes {stable_mosaic.version = 14 : i64} {
  func.func @_main_body(%arg0: i32, %arg1: memref<2048x64xf32, #tpu.memory_space<vmem>>, %arg2: memref<4000x64xf32, #tpu.memory_space<vmem>>, %arg3: memref<1x1xf32, #tpu.memory_space<vmem>>, %arg4: memref<1x1xf32, #tpu.memory_space<vmem>>, %arg5: memref<2048x64xf32, #tpu.memory_space<vmem>>, %arg6: memref<1x2048xf32, #tpu.memory_space<vmem>>) attributes {dimension_semantics = [#tpu.dimension_semantics<arbitrary>], iteration_bounds = array<i64: 25>, scalar_prefetch = 0 : i64, scratch_operands = 2 : i64, tpu.core_type = #tpu.core_type<tc>, window_params = [{pipeline_mode = #tpu.pipeline_mode<synchronous>, transform_indices = @transform_0, window_bounds = array<i64: 2048, 64>}, {transform_indices = @transform_1, window_bounds = array<i64: 4000, 64>}, {pipeline_mode = #tpu.pipeline_mode<synchronous>, transform_indices = @transform_2, window_bounds = array<i64: 1, 1>}, {pipeline_mode = #tpu.pipeline_mode<synchronous>, transform_indices = @transform_3, window_bounds = array<i64: 1, 1>}]} {
    %eq3A = arith.constant 0 : i32
    %eq3A_0 = arith.cmpi eq, %arg0, %eq3A : i32
    %convert_element_type3A = arith.extui %eq3A_0 : i1 to i32
    %cond3A = arith.constant 0 : i32
    %cond3A_1 = arith.cmpi ne, %convert_element_type3A, %cond3A : i32
    scf.if %cond3A_1 {
      %get3A_29 = arith.constant 0 : index
      %get3A_30 = arith.constant 0 : index
      %get3A_31 = vector.load %arg1[%get3A_29, %get3A_30] : memref<2048x64xf32, #tpu.memory_space<vmem>>, vector<2048x64xf32>
      %mul3A = arith.mulf %get3A_31, %get3A_31 : vector<2048x64xf32>
      %reduce_sum3A_32 = arith.constant dense<0.000000e+00> : vector<2048xf32>
      %reduce_sum3A_33 = vector.multi_reduction <add>, %mul3A, %reduce_sum3A_32 [1] : vector<2048x64xf32> to vector<2048xf32>
      %broadcast_in_dim3A_34 = vector.shape_cast %reduce_sum3A_33 : vector<2048xf32> to vector<2048x1xf32>
      %sqrt3A = math.sqrt %broadcast_in_dim3A_34 : vector<2048x1xf32>
      %max3A = arith.constant 9.99999996E-13 : f32
      %max3A_35 = vector.broadcast %max3A : f32 to vector<2048x1xf32>
      %max3A_36 = arith.maximumf %sqrt3A, %max3A_35 : vector<2048x1xf32>
      %div3A = arith.constant 2.885390e+01 : f32
      %div3A_37 = vector.broadcast %div3A : f32 to vector<2048x1xf32>
      %div3A_38 = arith.divf %div3A_37, %max3A_36 : vector<2048x1xf32>
      %mul3A_39 = vector.broadcast %div3A_38 : vector<2048x1xf32> to vector<2048x64xf32>
      %mul3A_40 = arith.mulf %get3A_31, %mul3A_39 : vector<2048x64xf32>
      %swap3A_41 = arith.constant 0 : index
      %swap3A_42 = arith.constant 0 : index
      %swap3A_43 = vector.load %arg5[%swap3A_41, %swap3A_42] : memref<2048x64xf32, #tpu.memory_space<vmem>>, vector<2048x64xf32>
      tpu.vector_store %arg5[%swap3A_41, %swap3A_42], %mul3A_40 {strides = array<i32>} : memref<2048x64xf32, #tpu.memory_space<vmem>>, vector<2048x64xf32>,
      %broadcast_in_dim3A_44 = arith.constant 0.000000e+00 : f32
      %broadcast_in_dim3A_45 = vector.broadcast %broadcast_in_dim3A_44 : f32 to vector<1x2048xf32>
      %swap3A_46 = arith.constant 0 : index
      %swap3A_47 = arith.constant 0 : index
      %swap3A_48 = vector.load %arg6[%swap3A_46, %swap3A_47] : memref<1x2048xf32, #tpu.memory_space<vmem>>, vector<1x2048xf32>
      tpu.vector_store %arg6[%swap3A_46, %swap3A_47], %broadcast_in_dim3A_45 {strides = array<i32>} : memref<1x2048xf32, #tpu.memory_space<vmem>>, vector<1x2048xf32>,
    } else {
    }
    %get3A = arith.constant 0 : index
    %get3A_2 = arith.constant 0 : index
    %get3A_3 = vector.load %arg5[%get3A, %get3A_2] : memref<2048x64xf32, #tpu.memory_space<vmem>>, vector<2048x64xf32>
    %get3A_4 = arith.constant 0 : index
    %get3A_5 = arith.constant 0 : index
    %get3A_6 = vector.load %arg2[%get3A_4, %get3A_5] : memref<4000x64xf32, #tpu.memory_space<vmem>>, vector<2000x64xf32>
    %dot_general3A = arith.constant dense<0.000000e+00> : vector<2000x2048xf32>
    %dot_general3A_7 = tpu.matmul %get3A_6, %get3A_3, %dot_general3A {dimension_numbers = #tpu.dot_dimension_numbers<[1], [1], [0], [0], [0, 0, 1, 0], [], []>, transpose_lhs_hint = false} : vector<2000x64xf32>, vector<2048x64xf32>, vector<2000x2048xf32> -> vector<2000x2048xf32>
    %get3A_8 = arith.constant 2000 : index
    %get3A_9 = arith.constant 0 : index
    %get3A_10 = vector.load %arg2[%get3A_8, %get3A_9] : memref<4000x64xf32, #tpu.memory_space<vmem>>, vector<2000x64xf32>
    %dot_general3A_11 = arith.constant dense<0.000000e+00> : vector<2000x2048xf32>
    %dot_general3A_12 = tpu.matmul %get3A_10, %get3A_3, %dot_general3A_11 {dimension_numbers = #tpu.dot_dimension_numbers<[1], [1], [0], [0], [0, 0, 1, 0], [], []>, transpose_lhs_hint = false} : vector<2000x64xf32>, vector<2048x64xf32>, vector<2000x2048xf32> -> vector<2000x2048xf32>
    %exp23A = math.exp2 %dot_general3A_7 : vector<2000x2048xf32>
    %reduce_sum3A = arith.constant dense<0.000000e+00> : vector<2048xf32>
    %reduce_sum3A_13 = vector.multi_reduction <add>, %exp23A, %reduce_sum3A [0] : vector<2000x2048xf32> to vector<2048xf32>
    %broadcast_in_dim3A = vector.shape_cast %reduce_sum3A_13 : vector<2048xf32> to vector<1x2048xf32>
    %exp23A_14 = math.exp2 %dot_general3A_12 : vector<2000x2048xf32>
    %reduce_sum3A_15 = arith.constant dense<0.000000e+00> : vector<2048xf32>
    %reduce_sum3A_16 = vector.multi_reduction <add>, %exp23A_14, %reduce_sum3A_15 [0] : vector<2000x2048xf32> to vector<2048xf32>
    %broadcast_in_dim3A_17 = vector.shape_cast %reduce_sum3A_16 : vector<2048xf32> to vector<1x2048xf32>
    %add3A = arith.addf %broadcast_in_dim3A, %broadcast_in_dim3A_17 : vector<1x2048xf32>
    %get3A_18 = arith.constant 0 : index
    %get3A_19 = arith.constant 0 : index
    %get3A_20 = vector.load %arg6[%get3A_18, %get3A_19] : memref<1x2048xf32, #tpu.memory_space<vmem>>, vector<1x2048xf32>
    %add3A_21 = arith.addf %get3A_20, %add3A : vector<1x2048xf32>
    %swap3A = arith.constant 0 : index
    %swap3A_22 = arith.constant 0 : index
    %swap3A_23 = vector.load %arg6[%swap3A, %swap3A_22] : memref<1x2048xf32, #tpu.memory_space<vmem>>, vector<1x2048xf32>
    tpu.vector_store %arg6[%swap3A, %swap3A_22], %add3A_21 {strides = array<i32>} : memref<1x2048xf32, #tpu.memory_space<vmem>>, vector<1x2048xf32>,
    %eq3A_24 = arith.constant 24 : i32
    %eq3A_25 = arith.cmpi eq, %arg0, %eq3A_24 : i32
    %convert_element_type3A_26 = arith.extui %eq3A_25 : i1 to i32
    %cond3A_27 = arith.constant 0 : i32
    %cond3A_28 = arith.cmpi ne, %convert_element_type3A_26, %cond3A_27 : i32
    scf.if %cond3A_28 {
      %get3A_29 = arith.constant 0 : index
      %get3A_30 = arith.constant 0 : index
      %get3A_31 = vector.load %arg6[%get3A_29, %get3A_30] : memref<1x2048xf32, #tpu.memory_space<vmem>>, vector<1x2048xf32>
      %log3A = math.log %get3A_31 : vector<1x2048xf32>
      %slice3A = vector.extract_strided_slice %log3A {offsets = [0, 0], sizes = [1, 1024], strides = [1, 1]} : vector<1x2048xf32> to vector<1x1024xf32>
      %reduce_sum3A_32 = arith.constant dense<0.000000e+00> : vector<1xf32>
      %reduce_sum3A_33 = vector.multi_reduction <add>, %slice3A, %reduce_sum3A_32 [1] : vector<1x1024xf32> to vector<1xf32>
      %broadcast_in_dim3A_34 = vector.shape_cast %reduce_sum3A_33 : vector<1xf32> to vector<1x1xf32>
      %div3A = arith.constant 1.024000e+03 : f32
      %div3A_35 = vector.broadcast %div3A : f32 to vector<1x1xf32>
      %div3A_36 = arith.divf %broadcast_in_dim3A_34, %div3A_35 : vector<1x1xf32>
      %swap3A_37 = arith.constant 0 : index
      %swap3A_38 = arith.constant 0 : index
      %swap3A_39 = vector.load %arg3[%swap3A_37, %swap3A_38] : memref<1x1xf32, #tpu.memory_space<vmem>>, vector<1x1xf32>
      tpu.vector_store %arg3[%swap3A_37, %swap3A_38], %div3A_36 {strides = array<i32>} : memref<1x1xf32, #tpu.memory_space<vmem>>, vector<1x1xf32>,
      %slice3A_40 = vector.extract_strided_slice %log3A {offsets = [0, 1024], sizes = [1, 1024], strides = [1, 1]} : vector<1x2048xf32> to vector<1x1024xf32>
      %reduce_sum3A_41 = arith.constant dense<0.000000e+00> : vector<1xf32>
      %reduce_sum3A_42 = vector.multi_reduction <add>, %slice3A_40, %reduce_sum3A_41 [1] : vector<1x1024xf32> to vector<1xf32>
      %broadcast_in_dim3A_43 = vector.shape_cast %reduce_sum3A_42 : vector<1xf32> to vector<1x1xf32>
      %div3A_44 = arith.constant 1.024000e+03 : f32
      %div3A_45 = vector.broadcast %div3A_44 : f32 to vector<1x1xf32>
      %div3A_46 = arith.divf %broadcast_in_dim3A_43, %div3A_45 : vector<1x1xf32>
      %swap3A_47 = arith.constant 0 : index
      %swap3A_48 = arith.constant 0 : index
      %swap3A_49 = vector.load %arg4[%swap3A_47, %swap3A_48] : memref<1x1xf32, #tpu.memory_space<vmem>>, vector<1x1xf32>
      tpu.vector_store %arg4[%swap3A_47, %swap3A_48], %div3A_46 {strides = array<i32>} : memref<1x1xf32, #tpu.memory_space<vmem>>, vector<1x1xf32>,
    } else {
    }
    return
  }
  func.func @transform_0(%arg0: i32) -> (i32, i32) {
    %c0_i32 = arith.constant 0 : i32
    %c0_i32_0 = arith.constant 0 : i32
    %c0_i32_1 = arith.constant 0 : i32
    return %c0_i32, %c0_i32_0 : i32, i32
  }
  func.func @transform_1(%arg0: i32) -> (i32, i32) {
    %c0_i32 = arith.constant 0 : i32
    %c0_i32_0 = arith.constant 0 : i32
    return %arg0, %c0_i32 : i32, i32
  }
  func.func @transform_2(%arg0: i32) -> (i32, i32) {
    %c0_i32 = arith.constant 0 : i32
    %c0_i32_0 = arith.constant 0 : i32
    %c0_i32_1 = arith.constant 0 : i32
    return %c0_i32, %c0_i32_0 : i32, i32
  }
  func.func @transform_3(%arg0: i32) -> (i32, i32) {
    %c0_i32 = arith.constant 0 : i32
    %c0_i32_0 = arith.constant 0 : i32
    %c0_i32_1 = arith.constant 0 : i32
    return %c0_i32, %c0_i32_0 : i32, i32
  }
}

module attributes {stable_mosaic.version = 14 : i64} {
  func.func @_join_body(%arg0: memref<2048x64xf32, #tpu.memory_space<vmem>>, %arg1: memref<2048x64xf32, #tpu.memory_space<vmem>>, %arg2: memref<1x1xf32, #tpu.memory_space<vmem>>, %arg3: memref<1x1xf32, #tpu.memory_space<vmem>>, %arg4: memref<1x1xf32, #tpu.memory_space<vmem>>, %arg5: memref<1x1xf32, #tpu.memory_space<vmem>>) attributes {dimension_semantics = [], scalar_prefetch = 0 : i64, scratch_operands = 0 : i64, tpu.core_type = #tpu.core_type<tc>} {
    %get3A = arith.constant 0 : index
    %get3A_0 = arith.constant 0 : index
    %get3A_1 = vector.load %arg0[%get3A, %get3A_0] : memref<2048x64xf32, #tpu.memory_space<vmem>>, vector<2048x64xf32>
    %mul3A = arith.mulf %get3A_1, %get3A_1 : vector<2048x64xf32>
    %reduce_sum3A = arith.constant dense<0.000000e+00> : vector<2048xf32>
    %reduce_sum3A_2 = vector.multi_reduction <add>, %mul3A, %reduce_sum3A [1] : vector<2048x64xf32> to vector<2048xf32>
    %broadcast_in_dim3A = vector.shape_cast %reduce_sum3A_2 : vector<2048xf32> to vector<2048x1xf32>
    %sqrt3A = math.sqrt %broadcast_in_dim3A : vector<2048x1xf32>
    %max3A = arith.constant 9.99999996E-13 : f32
    %max3A_3 = vector.broadcast %max3A : f32 to vector<2048x1xf32>
    %max3A_4 = arith.maximumf %sqrt3A, %max3A_3 : vector<2048x1xf32>
    %div3A = vector.broadcast %max3A_4 : vector<2048x1xf32> to vector<2048x64xf32>
    %div3A_5 = arith.divf %get3A_1, %div3A : vector<2048x64xf32>
    %get3A_6 = arith.constant 0 : index
    %get3A_7 = arith.constant 0 : index
    %get3A_8 = vector.load %arg1[%get3A_6, %get3A_7] : memref<2048x64xf32, #tpu.memory_space<vmem>>, vector<2048x64xf32>
    %mul3A_9 = arith.mulf %div3A_5, %get3A_8 : vector<2048x64xf32>
    %reduce_sum3A_10 = arith.constant dense<0.000000e+00> : vector<2048xf32>
    %reduce_sum3A_11 = vector.multi_reduction <add>, %mul3A_9, %reduce_sum3A_10 [1] : vector<2048x64xf32> to vector<2048xf32>
    %broadcast_in_dim3A_12 = vector.shape_cast %reduce_sum3A_11 : vector<2048xf32> to vector<2048x1xf32>
    %mul3A_13 = arith.constant 2.000000e+01 : f32
    %mul3A_14 = vector.broadcast %mul3A_13 : f32 to vector<2048x1xf32>
    %mul3A_15 = arith.mulf %broadcast_in_dim3A_12, %mul3A_14 : vector<2048x1xf32>
    %get3A_16 = arith.constant 0 : index
    %get3A_17 = arith.constant 0 : index
    %get3A_18 = vector.load %arg2[%get3A_16, %get3A_17] : memref<1x1xf32, #tpu.memory_space<vmem>>, vector<1x1xf32>
    %slice3A = vector.extract_strided_slice %mul3A_15 {offsets = [0, 0], sizes = [1024, 1], strides = [1, 1]} : vector<2048x1xf32> to vector<1024x1xf32>
    %reduce_sum3A_19 = arith.constant dense<0.000000e+00> : vector<1xf32>
    %reduce_sum3A_20 = vector.multi_reduction <add>, %slice3A, %reduce_sum3A_19 [0] : vector<1024x1xf32> to vector<1xf32>
    %broadcast_in_dim3A_21 = vector.shape_cast %reduce_sum3A_20 : vector<1xf32> to vector<1x1xf32>
    %div3A_22 = arith.constant 1.024000e+03 : f32
    %div3A_23 = vector.broadcast %div3A_22 : f32 to vector<1x1xf32>
    %div3A_24 = arith.divf %broadcast_in_dim3A_21, %div3A_23 : vector<1x1xf32>
    %sub3A = arith.subf %get3A_18, %div3A_24 : vector<1x1xf32>
    %swap3A = arith.constant 0 : index
    %swap3A_25 = arith.constant 0 : index
    %swap3A_26 = vector.load %arg4[%swap3A, %swap3A_25] : memref<1x1xf32, #tpu.memory_space<vmem>>, vector<1x1xf32>
    tpu.vector_store %arg4[%swap3A, %swap3A_25], %sub3A {strides = array<i32>} : memref<1x1xf32, #tpu.memory_space<vmem>>, vector<1x1xf32>,
    %get3A_27 = arith.constant 0 : index
    %get3A_28 = arith.constant 0 : index
    %get3A_29 = vector.load %arg3[%get3A_27, %get3A_28] : memref<1x1xf32, #tpu.memory_space<vmem>>, vector<1x1xf32>
    %slice3A_30 = vector.extract_strided_slice %mul3A_15 {offsets = [1024, 0], sizes = [1024, 1], strides = [1, 1]} : vector<2048x1xf32> to vector<1024x1xf32>
    %reduce_sum3A_31 = arith.constant dense<0.000000e+00> : vector<1xf32>
    %reduce_sum3A_32 = vector.multi_reduction <add>, %slice3A_30, %reduce_sum3A_31 [0] : vector<1024x1xf32> to vector<1xf32>
    %broadcast_in_dim3A_33 = vector.shape_cast %reduce_sum3A_32 : vector<1xf32> to vector<1x1xf32>
    %div3A_34 = arith.constant 1.024000e+03 : f32
    %div3A_35 = vector.broadcast %div3A_34 : f32 to vector<1x1xf32>
    %div3A_36 = arith.divf %broadcast_in_dim3A_33, %div3A_35 : vector<1x1xf32>
    %sub3A_37 = arith.subf %get3A_29, %div3A_36 : vector<1x1xf32>
    %swap3A_38 = arith.constant 0 : index
    %swap3A_39 = arith.constant 0 : index
    %swap3A_40 = vector.load %arg5[%swap3A_38, %swap3A_39] : memref<1x1xf32, #tpu.memory_space<vmem>>, vector<1x1xf32>
    tpu.vector_store %arg5[%swap3A_38, %swap3A_39], %sub3A_37 {strides = array<i32>} : memref<1x1xf32, #tpu.memory_space<vmem>>, vector<1x1xf32>,
    return
  }
}

</mosaic_0001>

<sc_bundles>
// kernel: gather_offload_async_start
scs
__scs_entry_jumppad:
0x0: {  	(pc) =	sbr.rel $0x88, $3  }
0x1: {  	(tag) =	ssettag $0x0;
	lr =	simm.s32 $0x1  }
0x2: {  	[smem:$0x3F9C] =	sst lr;
	_ =	strace $0xD0000000  }
0x3: {  	_ = 	snop  }
0x4: {  	_ = 	snop  }
0x5: {  	_ = 	snop  }
0x6: {  	_ = 	snop  }
0x7: {  	_ = 	snop  }
__scs_overlays_trampoline_lowered:
0x8: {  	[smem:$0x3FAB] =	sst s0  }
0x9: {  	[smem:$0x3FAC] =	sst s1  }
0xa: {  	[smem:$0x3FAD] =	sst s2  }
0xb: {  	[smem:$0x3FAE] =	sst s3  }
0xc: {  	[smem:$0x3FAF] =	sst s4  }
0xd: {  	[smem:$0x3FB0] =	sst s5  }
0xe: {  	[smem:$0x3FB1] =	sst s6  }
0xf: {  	[smem:$0x3FB2] =	sst s7  }
0x10: {  	[smem:$0x3FB3] =	sst s8  }
0x11: {  	[smem:$0x3FB4] =	sst s9;
	s0 =	simm.s32 @!p0 $0x0  }
0x12: {  	s1 =	sld [smem:$0x3F9A];
	s0 =	simm.s32 @p0 $0x1  }
0x13: {  	[smem:$0x3FB5] =	sst s0;
	s0 =	simm.s32 @!p1 $0x0  }
0x14: {  	s2 =	sld [smem:$0x3F99];
	s0 =	simm.s32 @p1 $0x1  }
0x15: {  	[smem:$0x3FB6] =	sst s0;
	s0 =	simm.s32 @!p2 $0x0  }
0x16: {  	s3 =	sld [smem:$0x3FDB];
	s0 =	simm.s32 @p2 $0x1  }
0x17: {  	s4 =	simm.s32 $0x1BF5;
	[smem:$0x3FB8] =	sst s0  }
0x18: {  	s0 =	sld [smem:$0x3F9B];
	_ =	swait.ge [sflag:s4], $0x0  }
0x19: {  	s7 =	sld [smem:$0x3F9C]  }
0x1a: {  	s8 =	sadd.s32 $0xFFFFE003, lr  }
0x1b: {  	s9 =	sadd.s32 $0xFFFFFEF7, lr;
	s5 =	simm.s32 $0xFFFFFFFF;
	p2 =	slt.u32 s8, $0xFFFFF086  }
0x1c: {  	p1 =	slt.u32 s9, $0xF7A;
	s5 =	simm.s32 @!p2 $0x0  }
0x1d: {  	s5 =	simm.s32 @p1 $0x1;
	p0 =	seq.s32 s7, s2  }
0x1e: {  	s7 =	smul.u32 @!p0 $0xF7A, s2;
	p2 =	seq.s32 @!p0 s5, $0x0  }
0x1f: {  	s9 =	smul.u32 $0xF7A, s1;
	s8 =	simm.s32 @!p0 $0x1BF5;
	p2 =	por !p2, p0  }
0x20: {  	[sflag:s8] =	ssyncset.s32 @!p0 $0xFFFFF086;
	s6 =	sadd.s32 @!p0 s3, s7;
	s7 =	simm.s32 @!p0 $0x108  }
0x21: {  	s3 =	sadd.s32 s3, s9;
	s6 =	sadd.s32 @!p0 $0x88, s6;
	s7 =	simm.s32 @p2 $0x1082  }
0x22: {  	[simem:s7], [sflag:s8] =	dma.local @!p0 [hbm:s6], $0xF7A  }
0x23: {  	s9 =	sor.u32 $0xD0000000, s2;
	s6 =	simm.s32 $0x108;
	_ =	swait.ge @!p0 [sflag:s8], $0x0  }
0x24: {  	s3 =	sadd.s32 $0x88, s3;
	s6 =	simm.s32 @!p1 $0x1082;
	[sflag:s4] =	ssyncset.s32 $0xFFFFF086  }
0x25: {  	[simem:s6], [sflag:s4] =	dma.local [hbm:s3], $0xF7A  }
0x26: {  	[smem:$0x3F9C] =	sst s1;
	(tag) =	ssettag s2;
	_ =	strace s9  }
0x27: {  	s1 =	sld [smem:$0x3FAC]  }
0x28: {  	s2 =	sld [smem:$0x3FAD]  }
0x29: {  	s4 =	sld [smem:$0x3FAF]  }
0x2a: {  	p0 =	seq.s32 s5, $0x0;
	s5 =	sld [smem:$0x3FB0]  }
0x2b: {  	s6 =	sld [smem:$0x3FB1]  }
0x2c: {  	s7 =	sld [smem:$0x3FB2]  }
0x2d: {  	s3 =	simm.s32 $0x108;
	s8 =	sld [smem:$0x3FB3]  }
0x2e: {  	s3 =	simm.s32 @!p0 $0x1082;
	s9 =	sld [smem:$0x3FB4]  }
0x2f: {  	lr =	sadd.s32 s0, s3;
	s0 =	sld [smem:$0x3FAB]  }
0x30: {  	s3 =	sld [smem:$0x3FAE]  }
0x31: {  	[smem:$0x3FB7] =	sst s10  }
0x32: {  	s10 =	sld [smem:$0x3FB5];
	_ =	sdelay $0x3  }
0x33: {  	p0 =	seq.s32 s10, $0x1;
	s10 =	sld [smem:$0x3FB7];
	_ =	sdelay $0x3  }
0x34: {  	[smem:$0x3FB7] =	sst s10  }
0x35: {  	s10 =	sld [smem:$0x3FB6];
	_ =	sdelay $0x3  }
0x36: {  	p1 =	seq.s32 s10, $0x1;
	s10 =	sld [smem:$0x3FB7];
	_ =	sdelay $0x3  }
0x37: {  	[smem:$0x3FB7] =	sst s10  }
0x38: {  	s10 =	sld [smem:$0x3FB8]  }
0x39: {  	_ = 	snop;
	(pc) =	sbr.ind lr, $3  }
0x3a: {  	_ = 	snop  }
0x3b: {  	_ = 	snop  }
0x3c: {  	p2 =	seq.s32 s10, $0x1;
	s10 =	sld [smem:$0x3FB7]  }
0x3d: {  	_ =	shalt  }
0x3e: {  	_ =	shalt  }
0x3f: {  	_ =	shalt  }
0x40: {  	_ =	shalt  }
0x41: {  	_ =	shalt  }
0x42: {  	_ =	shalt  }
0x43: {  	_ =	shalt  }
0x44: {  	_ =	shalt  }
0x45: {  	_ =	shalt  }
0x46: {  	_ =	shalt  }
0x47: {  	_ =	shalt  }
0x48: {  	_ =	shalt  }
0x49: {  	_ =	shalt  }
0x4a: {  	_ =	shalt  }
0x4b: {  	_ =	shalt  }
0x4c: {  	_ =	shalt  }
0x4d: {  	_ =	shalt  }
0x4e: {  	_ =	shalt  }
0x4f: {  	_ =	shalt  }
0x50: {  	_ =	shalt  }
0x51: {  	_ =	shalt  }
0x52: {  	_ =	shalt  }
0x53: {  	_ =	shalt  }
0x54: {  	_ =	shalt  }
0x55: {  	_ =	shalt  }
0x56: {  	_ =	shalt  }
0x57: {  	_ =	shalt  }
0x58: {  	_ =	shalt  }
0x59: {  	_ =	shalt  }
0x5a: {  	_ =	shalt  }
0x5b: {  	_ =	shalt  }
0x5c: {  	_ =	shalt  }
0x5d: {  	_ =	shalt  }
0x5e: {  	_ =	shalt  }
0x5f: {  	_ =	shalt  }
0x60: {  	_ =	shalt  }
0x61: {  	_ =	shalt  }
0x62: {  	_ =	shalt  }
0x63: {  	_ =	shalt  }
0x64: {  	_ =	shalt  }
0x65: {  	_ =	shalt  }
0x66: {  	_ =	shalt  }
0x67: {  	_ =	shalt  }
0x68: {  	_ =	shalt  }
0x69: {  	_ =	shalt  }
0x6a: {  	_ =	shalt  }
0x6b: {  	_ =	shalt  }
0x6c: {  	_ =	shalt  }
0x6d: {  	_ =	shalt  }
0x6e: {  	_ =	shalt  }
0x6f: {  	_ =	shalt  }
0x70: {  	_ =	shalt  }
0x71: {  	_ =	shalt  }
0x72: {  	_ =	shalt  }
0x73: {  	_ =	shalt  }
0x74: {  	_ =	shalt  }
0x75: {  	_ =	shalt  }
0x76: {  	_ =	shalt  }
0x77: {  	_ =	shalt  }
0x78: {  	_ =	shalt  }
0x79: {  	_ =	shalt  }
0x7a: {  	_ =	shalt  }
0x7b: {  	_ =	shalt  }
0x7c: {  	_ =	shalt  }
0x7d: {  	_ =	shalt  }
0x7e: {  	_ =	shalt  }
0x7f: {  	_ =	shalt  }
0x80: {  	_ =	shalt  }
0x81: {  	_ =	shalt  }
0x82: {  	_ =	shalt  }
0x83: {  	_ =	shalt  }
0x84: {  	_ =	shalt  }
0x85: {  	_ =	shalt  }
0x86: {  	_ =	shalt  }
0x87: {  	_ =	shalt  }
.Lfunc_end0:
.L_simem_size_0:
called_computation_lowered:
.L_overlay_start_0:
0x88: {  	s2 =	sld [smem:$0x3FD9]  }
0x89: {  	s3 =	sld [smem:$0x3FFE];
	_ =	sdelay $0x1  }
0x8a: {  	s1 =	srdreg.scid  }
0x8b: {  	s0 =	sand.u32 $0x1, s1  }
0x8c: {  	s16 =	sshll.u32 s0, $0xA;
	s2 =	sadd.s32 s3, s2  }
0x8d: {  	s2 =	sadd.s32 s2, s16  }
0x8e: {  	[smem:$0x3FC3] =	sst s2  }
0x8f: {  	_ = 	snop  }
0x90: {  	(tm) =	ssettm $0x1  }
0x91: {  	s17 =	sld [smem:$0x3FFB];
	_ =	sdelay $0x3  }
0x92: {  	_ =	strace s17  }
0x93: {  	s2 =	sld [smem:$0x3FFC];
	_ =	sdelay $0x3  }
0x94: {  	_ =	strace s2  }
0x95: {  	s2 =	sld [smem:$0x3FFD];
	_ =	sdelay $0x3  }
0x96: {  	_ =	strace s2  }
0x97: {  	_ =	strace $0x8FFFFFFF  }
0x98: {  	s18 =	sld [smem:$0x3FDB];
	_ =	sdelay $0x1  }
0x99: {  	s19 =	simm.s32 $_scs_section_size  }
0x9a: {  	s4 =	simm.s32 $_size__tile_overlayer_lowered;
	s5 =	simm.s32 $_tile_overlayer_lowered  }
0x9b: {  	s22 =	simm.s32 $0x1BFF;
	s21 =	sshll.u32 s5, $0x1;
	s2 =	sadd.s32 s19, s18  }
0x9c: {  	s6 =	simm.s32 $0x0;
	s20 =	sshll.u32 s4, $0x1;
	s4 =	sadd.s32 s21, s2  }
0x9d: {  	[timem:s6], [sflag:s22] =	dma.local [hbm:s4], s20  }
0x9e: {  	_ =	swait.ge [sflag:s22], s20  }
0x9f: {  	s3 =	ssub.s32 $0x0, s20;
	[sflag:s22] =	ssyncset.done $0x0  }
0xa0: {  	[sflag:s22] =	ssyncadd.s32 s3;
	_ =	sdelay $0x1  }
0xa1: {  	s23 =	simm.s32 $0x1B8B  }
0xa2: {  	_ =	swait.ge [sflag:s23], $0x1  }
0xa3: {  	[sflag:s23] =	ssyncset.done $0x0  }
0xa4: {  	s25 =	simm.s32 $0x1B8E;
	s24 =	sld [smem:$0x3FFE];
	[sflag:s23] =	ssyncadd.s32 $0xFFFFFFFF  }
0xa5: {  	s26 =	simm.s32 $execute0_lowered;
	[smem:$0x3FD2] =	sst s25  }
0xa6: {  	s4 =	sshll.u32 s26, $0x1;
	_ =	strace $0x80000046;
	[dreg:$0x1] =	wrdreg $0xFFFFFFFF  }
0xa7: {  	s28 =	simm.s32 $_size_execute0_lowered;
	s2 =	sadd.s32 s2, s4;
	[dreg:$0x0] =	wrdreg $0x0  }
0xa8: {  	s4 =	sshll.u32 s28, $0x1;
	[dreg:$0x2] =	wrdreg s2  }
0xa9: {  	[dreg:$0x3] =	wrdreg s4  }
0xaa: {  	[dreg:$0x4] =	wrdreg $0xC0  }
0xab: {  	_ =	task [dreg:s6], $0x5FFFF  }
0xac: {  	[dreg:$0x1] =	wrdreg $0xFFFFFFFF  }
0xad: {  	[dreg:$0x0] =	wrdreg $0x60  }
0xae: {  	[dreg:$0x2] =	wrdreg s24  }
0xaf: {  	[dreg:$0x3] =	wrdreg $0x9  }
0xb0: {  	_ =	task.clear_ibuf [dreg:s6], $0x4FFFF;
	_ =	strace $0x90000046  }
0xb1: {  	s29 =	simm.s32 $0x9;
	_ =	strace $0x80000048  }
0xb2: {  	_ =	swait.ge [sflag:s29], $0x1  }
0xb3: {  	[sflag:s29] =	ssyncadd.s32 $0xFFFFFFFF  }
0xb4: {  	_ =	strace $0x90000048  }
0xb5: {  	_ =	sfence  }
0xb6: {  	s30 =	sld [smem:$0x0];
	_ =	sdelay $0x2  }
0xb7: {  	s31 =	sshll.u32 s1, $0xD;
	s1 =	sshrl.u32 s1, $0x2  }
0xb8: {  	s3 =	sand.u32 $0x4000, s31;
	s1 =	sadd.s32 s1, s30  }
0xb9: {  	s0 =	sor.u32 s3, s0;
	s1 =	sshll.u32 s1, $0x11  }
0xba: {  	s0 =	sor.u32 s1, s0  }
0xbb: {  	s0 =	sadd.s32 $0x8F2B, s0  }
0xbc: {  	[sflag:s0] =	ssyncadd.remote.s32 $0x1  }
0xbd: {  	_ =	sfence.sel $0xFFFF  }
0xbe: {  	[dreg:$0x0] =	wrdreg $0xFFFFFFFF;
	(pc) =	sbr.abs _section_cstart, $3  }
0xbf: {  	[dreg:$0x1] =	wrdreg $0xFFFFFFFF  }
0xc0: {  	_ =	task.clear_ibuf [dreg:s6], $0x2FFFF;
	_ =	strace $0x9FFFFFFF  }
0xc1: {  	(tm) =	ssettm $0x7FFFFFFF  }
tec
execute0_lowered:
.L_overlay_start_1:
0x0: {  	(tag) =	ssettag $0x1  }
0x1: {  	s7 =	rddreg [dreg:$0x0]  }
0x2: {  	s0 =	rddreg [dreg:$0x1];
	_ =	strace $0x80000047  }
0x3: {  	s1 =	srdreg.scid;
	s4 =	simm.s32 $0x1;
	s9 =	simm.s32 $0x3  }
0x4: {  	s12 =	simm.s32 $0x0;
	s10 =	simm.s32 $0x0;
	s5 =	sshll.u32 s1, $0x4  }
.Ltmp0:
0x5: {  	s1 =	stileid.u32;
	s5 =	sand.u32 $0x10, s5;
	(pc) =	sbr.rel .LBB2_1-.Ltmp0, $4  }
0x6: {  	s2 =	sadd.s32 $0x1000, s7;
	s3 =	sadd.s32 $0xE00, s7;
	s6 =	sor.u32 s1, s5  }
0x7: {  	[sflag:s4] =	ssyncpa.u1 $0x0;
	s5 =	simm.s32 $0x2;
	s6 =	sshll.u32 s6, $0x6  }
0x8: {  	s7 =	sadd.s32 $0x187A00, s7;
	[sflag:s5] =	ssyncpa.u1 $0x0;
	s8 =	sadd.s32 $0x40, s6  }
0x9: {  	vm0 =	vmmov $0xff;
	vm1 =	vcmask $0x3F20;
	[sflag:s9] =	ssyncpa.u1 $0x0;
	s9 =	simm.s32 $0x40;
	s11 =	smov.u32 s6  }
.LBB2_9:
0xa: {  	p0 =	seq.s32 s10, $0x2  }
.Ltmp1:
0xb: {  	_ = 	snop;
	(pc) =	sbr.rel @p0 .LBB2_11-.Ltmp1, $1  }
0xc: {  	_ =	sdelay $0x3  }
.LBB2_10:
0xd: {  	s12 =	sadd.s32 $0x40, s11  }
0xe: {  	s13 =	smov.u32 s6;
	p0 =	slt.s32 s12, s8  }
0xf: {  	s13 =	smov.u32 @p0 s12  }
0x10: {  	s10 =	sadd.s32 $0x1, s10;
	s12 =	smov.u32 s11;
	s11 =	smov.u32 s13  }
.LBB2_1:
0x11: {  	p0 =	sne.s32 s10, $0x0  }
.Ltmp2:
0x12: {  	_ = 	snop;
	(pc) =	sbr.rel @!p0 .LBB2_2-.Ltmp2, $1  }
0x13: {  	_ =	sdelay $0x3  }
0x14: {  	s13 =	sand.u32 $0x1, s10  }
0x15: {  	p0 =	seq.s32 s13, $0x0  }
.Ltmp3:
0x16: {  	_ = 	snop;
	(pc) =	sbr.rel @p0 .LBB2_9-.Ltmp3, $1  }
0x17: {  	_ =	sdelay $0x3  }
0x18: {  	_ =	swait.ge [sflag:s5], $0x40  }
0x19: {  	[sflag:s5] =	ssyncset.done $0x0  }
0x1a: {  	s13 =	simm.s32 $0x0;
	[sflag:s5] =	ssyncadd.s32 $0xFFFFFFC0  }
0x1b: {  	v0 =	vld.msk [tilespmem:s13+$0x40 ss:$0x1], $0xffff;
	_ =	sdelay $0x4  }
0x1c: {  	vm2 =	vgt.s32 v0, $0x0  }
0x1d: {  	v0 =	vnsel vm2, $0x0, v0  }
0x1e: {  	v0 =	vmin.u32 v0, $0x1869F  }
0x1f: {  	v0 =	vshll.u32 v0, $0x4;
	_ =	sdelay $0x3  }
0x20: {  	s13 =	simm.s32 $0x2080  }
0x21: {  	[tilespmem:s13], [sflag:$0x1] =	stream.indirect_vreg.gather [hbm:s2], $0x80, v0, vm0, $0x38;
	[tilespmem:$0x4080] =	vst v63  }
0x22: {  	s14 =	simm.s32 $0x2480;
	s31 =	simm.s32 $0x10  }
0x23: {  	[tilespmem:s14], [sflag:$0x1] =	stream.indirect_vreg.gather [hbm:s2], $0x80, v0, vm1, $0x38;
	[tilespmem:$0x4080] =	vst v63  }
0x24: {  	s14 =	simm.s32 $0x80;
	v0 =	vld.msk [tilespmem:s31+$0x40 ss:$0x1], $0xffff  }
.LBB2_5:
0x25: {  	p0 =	sne.s32 s14, $0xC0;
	_ =	sdelay $0x4  }
0x26: {  	vm2 =	vgt.s32 v0, $0x0  }
0x27: {  	v0 =	vnsel vm2, $0x0, v0  }
0x28: {  	v0 =	vmin.u32 v0, $0x1869F  }
0x29: {  	v0 =	vshll.u32 v0, $0x4;
	_ =	sdelay $0x3  }
.Ltmp4:
0x2a: {  	s13 =	sadd.s32 $0x800, s13;
	(pc) =	sbr.rel @p0 .LBB2_5-.Ltmp4, $4  }
0x2b: {  	[tilespmem:s13], [sflag:$0x1] =	stream.indirect_vreg.gather [hbm:s2], $0x80, v0, vm0, $0x38;
	[tilespmem:$0x4080] =	vst v63  }
0x2c: {  	s15 =	sshra.s32 s14, $0x2;
	s16 =	sadd.s32 $0x400, s13  }
0x2d: {  	[tilespmem:s16], [sflag:$0x1] =	stream.indirect_vreg.gather [hbm:s2], $0x80, v0, vm1, $0x38;
	[tilespmem:$0x4080] =	vst v63  }
0x2e: {  	s14 =	sadd.s32 $0x40, s14;
	v0 =	vld.msk [tilespmem:s15+$0x40 ss:$0x1], $0xffff  }
0x2f: {  	_ =	sdelay $0x3  }
0x30: {  	vm2 =	vgt.s32 v0, $0x0  }
0x31: {  	v0 =	vnsel vm2, $0x0, v0  }
0x32: {  	v0 =	vmin.u32 v0, $0x1869F  }
0x33: {  	v0 =	vshll.u32 v0, $0x4;
	_ =	sdelay $0x3  }
0x34: {  	s13 =	sadd.s32 $0x800, s13  }
0x35: {  	[tilespmem:s13], [sflag:$0x1] =	stream.indirect_vreg.gather [hbm:s2], $0x80, v0, vm0, $0x38;
	[tilespmem:$0x4080] =	vst v63  }
0x36: {  	s13 =	sadd.s32 $0x400, s13  }
0x37: {  	[tilespmem:s13], [sflag:$0x1] =	stream.indirect_vreg.gather [hbm:s2], $0x80, v0, vm1, $0x38;
	[tilespmem:$0x4080] =	vst v63  }
0x38: {  	s12 =	sshll.u32 s12, $0x4;
	s14 =	simm.s32 $0x80;
	_ =	swait.ge [sflag:s4], $0x2000  }
0x39: {  	s15 =	simm.s32 $0x2480;
	s12 =	sadd.s32 s12, s7;
	[sflag:s4] =	ssyncset.done $0x0  }
0x3a: {  	s16 =	sadd.s32 $0x0, s12;
	s13 =	simm.s32 $0x2080;
	[sflag:s4] =	ssyncadd.s32 $0xFFFFE000  }
.LBB2_7:
0x3b: {  	[hbm:s16] =	stream.linear.scatter [tilespmem:s13], [sflag:$0x3], $0x400, $0x38;
	[tilespmem:$0x4080] =	vst v63  }
0x3c: {  	s16 =	smov.u32 s14;
	s13 =	smov.u32 s15;
	p0 =	sne.s32 s14, $0x380  }
.Ltmp5:
0x3d: {  	s14 =	sadd.s32 $0x80, s14;
	(pc) =	sbr.rel @p0 .LBB2_7-.Ltmp5, $2  }
0x3e: {  	_ =	sdelay $0x2  }
0x3f: {  	s15 =	sadd.s32 $0x400, s15;
	s16 =	sadd.s32 s16, s12  }
.Ltmp6:
0x40: {  	(pc) =	sbr.rel .LBB2_9-.Ltmp6, $2  }
0x41: {  	_ =	sdelay $0x2  }
0x42: {  	[hbm:s16] =	stream.linear.scatter [tilespmem:s13], [sflag:$0x3], $0x400, $0x38;
	[tilespmem:$0x4080] =	vst v63  }
.LBB2_2:
.Ltmp7:
0x43: {  	(pc) =	sbr.rel .LBB2_10-.Ltmp7, $4  }
0x44: {  	_ = 	snop  }
0x45: {  	s12 =	sshrl.u32 s11, $0x3  }
0x46: {  	s13 =	sand.u32 $0x7, s11;
	s12 =	sadd.s32 s3, s12  }
0x47: {  	[tilespmem:s9], [sflag:$0x2] =	stream.linear.gather [hbm4b:s12+s13], $0x40, $0x38;
	[tilespmem:$0x4080] =	vst v63  }
.LBB2_11:
0x48: {  	s2 =	simm.s32 $0x3  }
0x49: {  	_ =	swait.ge [sflag:s2], $0x2000  }
0x4a: {  	[sflag:s2] =	ssyncset.done $0x0  }
0x4b: {  	[sflag:s2] =	ssyncadd.s32 $0xFFFFE000  }
0x4c: {  	_ =	sfence.sel $0x180000  }
0x4d: {  	s3 =	simm.s32 $0x2;
	[bflag:$0x0] =	sbarrier.arrive $0xFFFF  }
0x4e: {  	[sflag:s3] =	ssyncpa.u1 $0x1  }
0x4f: {  	s31 =	simm.s32 $0x1;
	[sflag:s2] =	ssyncpa.u1 $0x1  }
0x50: {  	[sflag:s31] =	ssyncpa.u1 $0x1  }
0x51: {  	p0 =	sne.s32 s1, $0x0;
	_ =	strace $0x90000047  }
0x52: {  	s0 =	sadd.s32 @!p0 $0x100000, s0;
	[bflag:$0x2] =	sbarrier.arrive $0xFFFF  }
0x53: {  	[sflag:s0] =	ssyncadd.tile.s32 @!p0 $0x1;
	_ =	shalt  }
.Lfunc_end2:
_tile_overlayer_lowered:
.L_overlay_start_2:
0x54: {  	(tag) =	ssettag $0x2  }
0x55: {  	s0 =	rddreg [dreg:$0x0];
	s2 =	stileid.u32  }
0x56: {  	s1 =	rddreg [dreg:$0x1];
	p0 =	sne.s32 s2, $0x0  }
0x57: {  	s3 =	rddreg [dreg:$0x2];
	[bflag:$0x3] =	sbarrier.arrive $0xFFFF;
	s2 =	simm.s32 @!p0 $0x1C01  }
0x58: {  	[timem:s3], [sflag:s2] =	dma.local @!p0 [hbm:s0], s1  }
0x59: {  	s0 =	simm.s32 @!p0 $0x1  }
0x5a: {  	_ =	swait.ge @!p0 [sflag:s0], s1  }
0x5b: {  	s1 =	ssub.s32 @!p0 $0x0, s1;
	[sflag:s0] =	ssyncset.done @!p0 $0x0  }
0x5c: {  	[sflag:s0] =	ssyncadd.s32 @!p0 s1  }
0x5d: {  	[bflag:$0x3] =	sbarrier.arrive $0xFFFF  }
0x5e: {  	_ =	shalt  }

</sc_bundles>
